<compile_context>
chip_gen: v7x
topology: tpu7x:2x2x1
jax: 0.10.2.dev20260603
libtpu: 0.0.44.dev20260713+nightly
codegen_flags: <defaults>
</compile_context>

<pallas_src>
import functools

import jax
import jax.numpy as jnp
from jax import lax
from jax.experimental import pallas as pl
from jax.experimental.pallas import tpu as pltpu
from jax.experimental.pallas import tpu_sc as plsc

K = 64
N = 10000
N_PAD = 10240
ROWS, COLS = 8, 1280
B = 16


def _topk_kernel(w_ref, idx_ref, val_ref, ids_ref):
    r = jax.lax.broadcasted_iota(jnp.int32, (ROWS, COLS), 0)
    c = jax.lax.broadcasted_iota(jnp.int32, (ROWS, COLS), 1)
    flat = r * COLS + c
    a = jnp.abs(w_ref[...])
    a = jnp.where(flat < N, a, -1.0)
    lane = jax.lax.broadcasted_iota(jnp.int32, (1, K), 1)
    krow = jax.lax.broadcasted_iota(jnp.int32, (K, B), 0)

    def body(i, carry):
        a, idxv, valv, ids = carry
        m = jnp.max(a)
        cand = jnp.where(a == m, flat, jnp.int32(2**30))
        j = jnp.min(cand)
        idxv = jnp.where(lane == i, j, idxv)
        valv = jnp.where(lane == i, m, valv)
        ids = jnp.where(krow == i, j, ids)
        a = jnp.where(flat == j, -1.0, a)
        return a, idxv, valv, ids

    idx0 = jnp.zeros((1, K), jnp.int32)
    val0 = jnp.zeros((1, K), jnp.float32)
    ids0 = jnp.zeros((K, B), jnp.int32)
    _, idxv, valv, ids = jax.lax.fori_loop(0, K, body, (a, idx0, val0, ids0))
    idx_ref[...] = idxv
    val_ref[...] = valv
    bcol = jax.lax.broadcasted_iota(jnp.int32, (K, B), 1)
    ids_ref[...] = ids + bcol * N


def _run_topk(W):
    wp = jnp.pad(W, (0, N_PAD - N)).reshape(ROWS, COLS)
    idx2d, val2d, ids = pl.pallas_call(
        _topk_kernel,
        out_shape=(
            jax.ShapeDtypeStruct((1, K), jnp.int32),
            jax.ShapeDtypeStruct((1, K), jnp.float32),
            jax.ShapeDtypeStruct((K, B), jnp.int32),
        ),
    )(wp)
    return idx2d.reshape(K), val2d.reshape(K), ids.reshape(K * B)


def _sc_gather(x2, ids, F):
    info = plsc.get_sparse_core_info()
    NC, NS = info.num_cores, info.num_subcores
    NW = NC * NS
    RPW = (K * B) // NW

    @functools.partial(
        pl.kernel,
        out_type=jax.ShapeDtypeStruct((K * B, F), jnp.float32),
        mesh=plsc.VectorSubcoreMesh(core_axis_name="c", subcore_axis_name="s"),
        scratch_types=[
            pltpu.VMEM((RPW,), jnp.int32),
            pltpu.VMEM((RPW, F), jnp.float32),
            pltpu.SemaphoreType.DMA,
        ],
    )
    def gk(x_hbm, ids_hbm, out_hbm, ids_v, rows_v, sem):
        wid = lax.axis_index("s") * NC + lax.axis_index("c")
        base = wid * RPW
        pltpu.sync_copy(ids_hbm.at[pl.ds(base, RPW)], ids_v)
        pltpu.async_copy(x_hbm.at[ids_v], rows_v, sem).wait()
        pltpu.sync_copy(rows_v, out_hbm.at[pl.ds(base, RPW)])

    return gk(x2, ids)


G = 8
STEPS = K // G


def _mlp_kernel(val_ref, xc_ref, w1_ref, b1_ref, gamma_ref,
                beta_ref, w2_ref, b2_ref, out_ref, acc_ref):
    g = pl.program_id(0)

    @pl.when(g == 0)
    def _():
        acc_ref[...] = jnp.zeros_like(acc_ref)

    xcat = jnp.concatenate(
        [xc_ref[j, :, :] * val_ref[g * G + j] for j in range(G)],
        axis=1)
    acc_ref[...] += jax.lax.dot_general(
        xcat, w1_ref[...], (((1,), (1,)), ((), ())),
        preferred_element_type=jnp.float32)

    @pl.when(g == STEPS - 1)
    def _():
        mp = acc_ref[...] + b1_ref[...]
        mean = jnp.mean(mp, axis=0, keepdims=True)
        var = jnp.mean((mp - mean) ** 2, axis=0, keepdims=True)
        mp = (mp - mean) * jax.lax.rsqrt(var + 1e-5)
        mp = mp * gamma_ref[...] + beta_ref[...]
        mp = jnp.maximum(mp, 0.0)
        out_ref[...] = jax.lax.dot_general(
            mp, w2_ref[...], (((1,), (1,)), ((), ())),
            preferred_element_type=jnp.float32) + b2_ref[...]


def kernel(x, W, W1, b1, gamma, beta, W2, b2):
    _, _, F = x.shape
    H = W1.shape[0]
    O = W2.shape[0]
    topk_idx, topk_val, ids = _run_topk(W)
    xc = _sc_gather(x.reshape(B * N, F), ids, F)
    xc3 = xc.reshape(K, B, F)

    out = pl.pallas_call(
        _mlp_kernel,
        grid_spec=pltpu.PrefetchScalarGridSpec(
            num_scalar_prefetch=1,
            grid=(STEPS,),
            in_specs=[
                pl.BlockSpec((G, B, F), lambda g, v: (g, 0, 0)),
                pl.BlockSpec((H, G * F), lambda g, v: (0, g)),
                pl.BlockSpec((1, H), lambda g, v: (0, 0)),
                pl.BlockSpec((1, H), lambda g, v: (0, 0)),
                pl.BlockSpec((1, H), lambda g, v: (0, 0)),
                pl.BlockSpec((O, H), lambda g, v: (0, 0)),
                pl.BlockSpec((1, O), lambda g, v: (0, 0)),
            ],
            out_specs=pl.BlockSpec((B, O), lambda g, v: (0, 0)),
            scratch_shapes=[pltpu.VMEM((B, H), jnp.float32)],
        ),
        out_shape=jax.ShapeDtypeStruct((B, O), jnp.float32),
    )(topk_val, xc3, W1, b1.reshape(1, H), gamma.reshape(1, H),
      beta.reshape(1, H), W2, b2.reshape(1, O))
    return (out, topk_idx)

# --- scband reference (transcript-rebuilt; emitter-appended) ---
"""Pipeline reference for scband-sort-readout-57973468562118 (READ-ONLY COPY).

The authoritative reference and input builder live on the scoring server;
editing this copy changes nothing except your own understanding.
"""

import jax, jax.numpy as jnp
import numpy as np

K = 64

def setup_inputs(seed: int = 0) -> dict:
    key = jax.random.key(seed)
    ks = jax.random.split(key, 4)
    B, N, F, H, O = 16, 10000, 128, 512, 128
    x = jax.random.normal(ks[0], (B, N, F), dtype=jnp.float32)
    W = jax.random.normal(ks[1], (N,), dtype=jnp.float32)
    W1 = jax.random.normal(ks[2], (H, K * F), dtype=jnp.float32) * (1.0 / np.sqrt(K * F))
    b1 = jnp.zeros((H,), dtype=jnp.float32)
    gamma = jnp.ones((H,), dtype=jnp.float32)
    beta = jnp.zeros((H,), dtype=jnp.float32)
    W2 = jax.random.normal(ks[3], (O, H), dtype=jnp.float32) * (1.0 / np.sqrt(H))
    b2 = jnp.zeros((O,), dtype=jnp.float32)
    return {"x": x, "W": W, "W1": W1, "b1": b1, "gamma": gamma, "beta": beta, "W2": W2, "b2": b2}

def reference(x, W, W1, b1, gamma, beta, W2, b2):
    # abs(W).topk(K)
    absW = jnp.abs(W)
    _, topk_idx = jax.lax.top_k(absW, K)
    # x = x * |W| broadcast over (batch, nodes, feat)
    xm = x * absW[None, :, None]
    # index_select along node dim -> gather
    topk_x = jnp.take(xm, topk_idx, axis=1)
    mp = topk_x.reshape(x.shape[0], -1)
    # Linear1
    mp = mp @ W1.T + b1
    # BatchNorm1d (training-mode batch statistics, biased var, eps=1e-5)
    mean = jnp.mean(mp, axis=0)
    var = jnp.var(mp, axis=0)
    mp = (mp - mean) / jnp.sqrt(var + 1e-5) * gamma + beta
    # Dropout: identity (eval / deterministic reference)
    # ReLU
    mp = jax.nn.relu(mp)
    # Linear2
    mp = mp @ W2.T + b2
    return (mp, topk_idx)

if __name__ == "__main__":
    import jax
    _d = setup_inputs()
    print(jax.jit(kernel)(*tuple(_d.values())))

</pallas_src>

<mosaic_0001>
#map = affine_map<(d0, d1) -> (0, 0)>
#map1 = affine_map<(d0, d1) -> (0)>
module attributes {stable_mosaic.version = 14 : i64} {
  func.func @gk(%arg0: i32, %arg1: i32, %arg2: memref<160000x128xf32, #tpu.memory_space<hbm>>, %arg3: memref<1024xi32, #tpu.memory_space<hbm>>, %arg4: memref<1024x128xf32, #tpu.memory_space<hbm>>, %arg5: memref<32xi32, #tpu.memory_space<vmem>>, %arg6: memref<32x128xf32, #tpu.memory_space<vmem>>, %arg7: memref<!tpu.dma_semaphore, #tpu.memory_space<semaphore_mem>>) attributes {dimension_semantics = [#tpu.dimension_semantics<core_parallel>, #tpu.dimension_semantics<subcore_parallel>], iteration_bounds = array<i64: 2, 16>, scalar_prefetch = 0 : i64, scratch_operands = 3 : i64, tpu.core_type = #tpu.core_type<sc_vector_subcore>, window_params = [{transform_indices = #map}, {transform_indices = #map1}, {transform_indices = #map}]} {
    %mul3A = arith.constant 2 : i32
    %mul3A_0 = arith.muli %arg1, %mul3A : i32
    %add3A = arith.addi %mul3A_0, %arg0 : i32
    %mul3A_1 = arith.constant 32 : i32
    %mul3A_2 = arith.muli %add3A, %mul3A_1 : i32
    "tpu.region"() ({
      %run_scoped3A = tpu.sem_alloc : memref<!tpu.dma_semaphore, #tpu.memory_space<semaphore_mem>>
      %dma_start3A_7 = tpu.memref_slice %arg3[%mul3A_2] : memref<1024xi32, #tpu.memory_space<hbm>> -> memref<32xi32, #tpu.memory_space<hbm>>
      %dma_start3A_8 = tpu.memref_slice %arg3[%mul3A_2] : memref<1024xi32, #tpu.memory_space<hbm>> -> memref<32xi32, #tpu.memory_space<hbm>>
      tpu.enqueue_dma source(%dma_start3A_8 : memref<32xi32, #tpu.memory_space<hbm>>) target(%arg5 : memref<32xi32, #tpu.memory_space<vmem>>) target_semaphore(%run_scoped3A : memref<!tpu.dma_semaphore, #tpu.memory_space<semaphore_mem>>)
      %dma_wait3A_9 = tpu.memref_slice %arg3[%mul3A_2] : memref<1024xi32, #tpu.memory_space<hbm>> -> memref<32xi32, #tpu.memory_space<hbm>>
      %dma_wait3A_10 = tpu.memref_slice %arg3[%mul3A_2] : memref<1024xi32, #tpu.memory_space<hbm>> -> memref<32xi32, #tpu.memory_space<hbm>>
      tpu.wait_dma2 semaphore(%run_scoped3A : memref<!tpu.dma_semaphore, #tpu.memory_space<semaphore_mem>>) src(%dma_wait3A_10 : memref<32xi32, #tpu.memory_space<hbm>>) dst(%arg5 : memref<32xi32, #tpu.memory_space<vmem>>)
      tpu.yield
    }) : () -> ()
    %dma_start3A = arith.constant 0 : i32
    %dma_start3A_3 = arith.constant 0 : i32
    %dma_start3A_4 = tpu.memref_slice %arg2[%dma_start3A, %dma_start3A_3] : memref<160000x128xf32, #tpu.memory_space<hbm>> -> memref<160000x128xf32, #tpu.memory_space<hbm>>
    tpu.enqueue_indirect_dma source(%dma_start3A_4 : memref<160000x128xf32, #tpu.memory_space<hbm>>) target(%arg6 : memref<32x128xf32, #tpu.memory_space<vmem>>) offsets(%arg5 : memref<32xi32, #tpu.memory_space<vmem>>) semaphore(%arg7 : memref<!tpu.dma_semaphore, #tpu.memory_space<semaphore_mem>>)
    %dma_wait3A = arith.constant 0 : i32
    %dma_wait3A_5 = arith.constant 0 : i32
    %dma_wait3A_6 = tpu.memref_slice %arg2[%dma_wait3A, %dma_wait3A_5] : memref<160000x128xf32, #tpu.memory_space<hbm>> -> memref<160000x128xf32, #tpu.memory_space<hbm>>
    tpu.wait_indirect_dma semaphore(%arg7 : memref<!tpu.dma_semaphore, #tpu.memory_space<semaphore_mem>>) src(%dma_wait3A_6 : memref<160000x128xf32, #tpu.memory_space<hbm>>) dst(%arg6 : memref<32x128xf32, #tpu.memory_space<vmem>>)
    "tpu.region"() ({
      %run_scoped3A = tpu.sem_alloc : memref<!tpu.dma_semaphore, #tpu.memory_space<semaphore_mem>>
      %dma_start3A_7 = arith.constant 0 : i32
      %dma_start3A_8 = tpu.memref_slice %arg4[%mul3A_2, %dma_start3A_7] : memref<1024x128xf32, #tpu.memory_space<hbm>> -> memref<32x128xf32, #tpu.memory_space<hbm>>
      %dma_start3A_9 = arith.constant 0 : i32
      %dma_start3A_10 = tpu.memref_slice %arg4[%mul3A_2, %dma_start3A_9] : memref<1024x128xf32, #tpu.memory_space<hbm>> -> memref<32x128xf32, #tpu.memory_space<hbm>>
      tpu.enqueue_dma source(%arg6 : memref<32x128xf32, #tpu.memory_space<vmem>>) target(%dma_start3A_10 : memref<32x128xf32, #tpu.memory_space<hbm>>) target_semaphore(%run_scoped3A : memref<!tpu.dma_semaphore, #tpu.memory_space<semaphore_mem>>)
      %dma_wait3A_11 = arith.constant 0 : i32
      %dma_wait3A_12 = tpu.memref_slice %arg4[%mul3A_2, %dma_wait3A_11] : memref<1024x128xf32, #tpu.memory_space<hbm>> -> memref<32x128xf32, #tpu.memory_space<hbm>>
      %dma_wait3A_13 = arith.constant 0 : i32
      %dma_wait3A_14 = tpu.memref_slice %arg4[%mul3A_2, %dma_wait3A_13] : memref<1024x128xf32, #tpu.memory_space<hbm>> -> memref<32x128xf32, #tpu.memory_space<hbm>>
      tpu.wait_dma2 semaphore(%run_scoped3A : memref<!tpu.dma_semaphore, #tpu.memory_space<semaphore_mem>>) src(%arg6 : memref<32x128xf32, #tpu.memory_space<vmem>>) dst(%dma_wait3A_14 : memref<32x128xf32, #tpu.memory_space<hbm>>)
      tpu.yield
    }) : () -> ()
    return
  }
}

module attributes {stable_mosaic.version = 14 : i64} {
  func.func @_topk_kernel(%arg0: memref<8x1280xf32, #tpu.memory_space<vmem>>, %arg1: memref<1x64xi32, #tpu.memory_space<vmem>>, %arg2: memref<1x64xf32, #tpu.memory_space<vmem>>, %arg3: memref<64x16xi32, #tpu.memory_space<vmem>>) attributes {dimension_semantics = [], scalar_prefetch = 0 : i64, scratch_operands = 0 : i64, tpu.core_type = #tpu.core_type<tc>} {
    %iota3A = tpu.iota {dimensions = array<i32: 0>} : vector<8x1280xi32>
    %iota3A_0 = tpu.iota {dimensions = array<i32: 1>} : vector<8x1280xi32>
    %mul3A = arith.constant 1280 : i32
    %mul3A_1 = vector.broadcast %mul3A : i32 to vector<8x1280xi32>
    %mul3A_2 = arith.muli %iota3A, %mul3A_1 : vector<8x1280xi32>
    %add3A = arith.addi %mul3A_2, %iota3A_0 : vector<8x1280xi32>
    %get3A = arith.constant 0 : index
    %get3A_3 = arith.constant 0 : index
    %get3A_4 = vector.load %arg0[%get3A, %get3A_3] : memref<8x1280xf32, #tpu.memory_space<vmem>>, vector<8x1280xf32>
    %abs3A = math.absf %get3A_4 : vector<8x1280xf32>
    %lt3A = arith.constant 10000 : i32
    %lt3A_5 = vector.broadcast %lt3A : i32 to vector<8x1280xi32>
    %lt3A_6 = arith.cmpi slt, %add3A, %lt3A_5 : vector<8x1280xi32>
    %jit3A = arith.constant -1.000000e+00 : f32
    %broadcast_in_dim3A = vector.broadcast %jit3A : f32 to vector<8x1280xf32>
    %select_n3A = arith.select %lt3A_6, %abs3A, %broadcast_in_dim3A : vector<8x1280xi1>, vector<8x1280xf32>
    %iota3A_7 = tpu.iota {dimensions = array<i32: 1>} : vector<1x64xi32>
    %iota3A_8 = tpu.iota {dimensions = array<i32: 0>} : vector<64x16xi32>
    %broadcast_in_dim3A_9 = arith.constant 0 : i32
    %broadcast_in_dim3A_10 = vector.broadcast %broadcast_in_dim3A_9 : i32 to vector<1x64xi32>
    %broadcast_in_dim3A_11 = arith.constant 0.000000e+00 : f32
    %broadcast_in_dim3A_12 = vector.broadcast %broadcast_in_dim3A_11 : f32 to vector<1x64xf32>
    %broadcast_in_dim3A_13 = arith.constant 0 : i32
    %broadcast_in_dim3A_14 = vector.broadcast %broadcast_in_dim3A_13 : i32 to vector<64x16xi32>
    %scan3A = arith.constant 0 : i32
    %scan3A_15 = arith.constant 64 : i32
    %scan3A_16 = arith.addi %scan3A, %scan3A_15 : i32
    %scan3A_17 = arith.constant 1 : i32
    %scan3A_18:4 = scf.for %scan3A_33 = %scan3A to %scan3A_16 step %scan3A_17 iter_args(%scan3A_34 = %select_n3A, %scan3A_35 = %broadcast_in_dim3A_10, %scan3A_36 = %broadcast_in_dim3A_12, %scan3A_37 = %broadcast_in_dim3A_14) -> (vector<8x1280xf32>, vector<1x64xi32>, vector<1x64xf32>, vector<64x16xi32>)  : i32 {
      %reduce_max3A = vector.shape_cast %scan3A_34 : vector<8x1280xf32> to vector<1x8x1280xf32>
      %reduce_max3A_38 = arith.constant dense<0xFF800000> : vector<1xf32>
      %reduce_max3A_39 = vector.multi_reduction <maximumf>, %reduce_max3A, %reduce_max3A_38 [1, 2] : vector<1x8x1280xf32> to vector<1xf32>
      %reduce_max3A_40 = vector.shape_cast %reduce_max3A_39 : vector<1xf32> to vector<1x1x1xf32>
      %reduce_max3A_41 = vector.extract %reduce_max3A_40[0, 0, 0] : f32 from vector<1x1x1xf32>
      %eq3A = vector.broadcast %reduce_max3A_41 : f32 to vector<8x1280xf32>
      %eq3A_42 = arith.cmpf oeq, %scan3A_34, %eq3A : vector<8x1280xf32>
      %jit3A_43 = arith.constant 1073741824 : i32
      %broadcast_in_dim3A_44 = vector.broadcast %jit3A_43 : i32 to vector<8x1280xi32>
      %select_n3A_45 = arith.select %eq3A_42, %add3A, %broadcast_in_dim3A_44 : vector<8x1280xi1>, vector<8x1280xi32>
      %reduce_min3A = vector.shape_cast %select_n3A_45 : vector<8x1280xi32> to vector<1x8x1280xi32>
      %reduce_min3A_46 = arith.constant dense<2147483647> : vector<1xi32>
      %reduce_min3A_47 = vector.multi_reduction <minsi>, %reduce_min3A, %reduce_min3A_46 [1, 2] : vector<1x8x1280xi32> to vector<1xi32>
      %reduce_min3A_48 = vector.shape_cast %reduce_min3A_47 : vector<1xi32> to vector<1x1x1xi32>
      %reduce_min3A_49 = vector.extract %reduce_min3A_48[0, 0, 0] : i32 from vector<1x1x1xi32>
      %eq3A_50 = vector.broadcast %scan3A_33 : i32 to vector<1x64xi32>
      %eq3A_51 = arith.cmpi eq, %iota3A_7, %eq3A_50 : vector<1x64xi32>
      %broadcast_in_dim3A_52 = vector.broadcast %reduce_min3A_49 : i32 to vector<1x64xi32>
      %select_n3A_53 = arith.select %eq3A_51, %broadcast_in_dim3A_52, %scan3A_35 : vector<1x64xi1>, vector<1x64xi32>
      %eq3A_54 = vector.broadcast %scan3A_33 : i32 to vector<1x64xi32>
      %eq3A_55 = arith.cmpi eq, %iota3A_7, %eq3A_54 : vector<1x64xi32>
      %broadcast_in_dim3A_56 = vector.broadcast %reduce_max3A_41 : f32 to vector<1x64xf32>
      %select_n3A_57 = arith.select %eq3A_55, %broadcast_in_dim3A_56, %scan3A_36 : vector<1x64xi1>, vector<1x64xf32>
      %eq3A_58 = vector.broadcast %scan3A_33 : i32 to vector<64x16xi32>
      %eq3A_59 = arith.cmpi eq, %iota3A_8, %eq3A_58 : vector<64x16xi32>
      %broadcast_in_dim3A_60 = vector.broadcast %reduce_min3A_49 : i32 to vector<64x16xi32>
      %select_n3A_61 = arith.select %eq3A_59, %broadcast_in_dim3A_60, %scan3A_37 : vector<64x16xi1>, vector<64x16xi32>
      %eq3A_62 = vector.broadcast %reduce_min3A_49 : i32 to vector<8x1280xi32>
      %eq3A_63 = arith.cmpi eq, %add3A, %eq3A_62 : vector<8x1280xi32>
      %jit3A_64 = arith.constant -1.000000e+00 : f32
      %broadcast_in_dim3A_65 = vector.broadcast %jit3A_64 : f32 to vector<8x1280xf32>
      %select_n3A_66 = arith.select %eq3A_63, %broadcast_in_dim3A_65, %scan3A_34 : vector<8x1280xi1>, vector<8x1280xf32>
      scf.yield %select_n3A_66, %select_n3A_53, %select_n3A_57, %select_n3A_61 : vector<8x1280xf32>, vector<1x64xi32>, vector<1x64xf32>, vector<64x16xi32>
    }
    %scan3A_19 = arith.constant 64 : i32
    %swap3A = arith.constant 0 : index
    %swap3A_20 = arith.constant 0 : index
    %swap3A_21 = vector.load %arg1[%swap3A, %swap3A_20] : memref<1x64xi32, #tpu.memory_space<vmem>>, vector<1x64xi32>
    tpu.vector_store %arg1[%swap3A, %swap3A_20], %scan3A_18#1 {strides = array<i32>} : memref<1x64xi32, #tpu.memory_space<vmem>>, vector<1x64xi32>,
    %swap3A_22 = arith.constant 0 : index
    %swap3A_23 = arith.constant 0 : index
    %swap3A_24 = vector.load %arg2[%swap3A_22, %swap3A_23] : memref<1x64xf32, #tpu.memory_space<vmem>>, vector<1x64xf32>
    tpu.vector_store %arg2[%swap3A_22, %swap3A_23], %scan3A_18#2 {strides = array<i32>} : memref<1x64xf32, #tpu.memory_space<vmem>>, vector<1x64xf32>,
    %iota3A_25 = tpu.iota {dimensions = array<i32: 1>} : vector<64x16xi32>
    %mul3A_26 = arith.constant 10000 : i32
    %mul3A_27 = vector.broadcast %mul3A_26 : i32 to vector<64x16xi32>
    %mul3A_28 = arith.muli %iota3A_25, %mul3A_27 : vector<64x16xi32>
    %add3A_29 = arith.addi %scan3A_18#3, %mul3A_28 : vector<64x16xi32>
    %swap3A_30 = arith.constant 0 : index
    %swap3A_31 = arith.constant 0 : index
    %swap3A_32 = vector.load %arg3[%swap3A_30, %swap3A_31] : memref<64x16xi32, #tpu.memory_space<vmem>>, vector<64x16xi32>
    tpu.vector_store %arg3[%swap3A_30, %swap3A_31], %add3A_29 {strides = array<i32>} : memref<64x16xi32, #tpu.memory_space<vmem>>, vector<64x16xi32>,
    return
  }
}

module attributes {stable_mosaic.version = 14 : i64} {
  func.func @_mlp_kernel(%arg0: i32, %arg1: memref<64xf32, #tpu.memory_space<smem>>, %arg2: memref<8x16x128xf32, #tpu.memory_space<vmem>>, %arg3: memref<512x1024xf32, #tpu.memory_space<vmem>>, %arg4: memref<1x512xf32, #tpu.memory_space<vmem>>, %arg5: memref<1x512xf32, #tpu.memory_space<vmem>>, %arg6: memref<1x512xf32, #tpu.memory_space<vmem>>, %arg7: memref<128x512xf32, #tpu.memory_space<vmem>>, %arg8: memref<1x128xf32, #tpu.memory_space<vmem>>, %arg9: memref<16x128xf32, #tpu.memory_space<vmem>>, %arg10: memref<16x512xf32, #tpu.memory_space<vmem>>) attributes {dimension_semantics = [#tpu.dimension_semantics<arbitrary>], iteration_bounds = array<i64: 8>, scalar_prefetch = 1 : i64, scratch_operands = 1 : i64, tpu.core_type = #tpu.core_type<tc>, window_params = [{transform_indices = @transform_0, window_bounds = array<i64: 8, 16, 128>}, {transform_indices = @transform_1, window_bounds = array<i64: 512, 1024>}, {pipeline_mode = #tpu.pipeline_mode<synchronous>, transform_indices = @transform_2, window_bounds = array<i64: 1, 512>}, {pipeline_mode = #tpu.pipeline_mode<synchronous>, transform_indices = @transform_3, window_bounds = array<i64: 1, 512>}, {pipeline_mode = #tpu.pipeline_mode<synchronous>, transform_indices = @transform_4, window_bounds = array<i64: 1, 512>}, {pipeline_mode = #tpu.pipeline_mode<synchronous>, transform_indices = @transform_5, window_bounds = array<i64: 128, 512>}, {pipeline_mode = #tpu.pipeline_mode<synchronous>, transform_indices = @transform_6, window_bounds = array<i64: 1, 128>}, {pipeline_mode = #tpu.pipeline_mode<synchronous>, transform_indices = @transform_7, window_bounds = array<i64: 16, 128>}]} {
    %eq3A = arith.constant 0 : i32
    %eq3A_0 = arith.cmpi eq, %arg0, %eq3A : i32
    %convert_element_type3A = arith.extui %eq3A_0 : i1 to i32
    %cond3A = arith.constant 0 : i32
    %cond3A_1 = arith.cmpi ne, %convert_element_type3A, %cond3A : i32
    scf.if %cond3A_1 {
      %broadcast_in_dim3A = arith.constant 0.000000e+00 : f32
      %broadcast_in_dim3A_118 = vector.broadcast %broadcast_in_dim3A : f32 to vector<16x512xf32>
      %swap3A_119 = arith.constant 0 : index
      %swap3A_120 = arith.constant 0 : index
      %swap3A_121 = vector.load %arg10[%swap3A_119, %swap3A_120] : memref<16x512xf32, #tpu.memory_space<vmem>>, vector<16x512xf32>
      tpu.vector_store %arg10[%swap3A_119, %swap3A_120], %broadcast_in_dim3A_118 {strides = array<i32>} : memref<16x512xf32, #tpu.memory_space<vmem>>, vector<16x512xf32>,
    } else {
    }
    %get3A = arith.constant 0 : index
    %get3A_2 = arith.constant 0 : index
    %get3A_3 = arith.constant 0 : index
    %get3A_4 = vector.load %arg2[%get3A, %get3A_2, %get3A_3] : memref<8x16x128xf32, #tpu.memory_space<vmem>>, vector<1x16x128xf32>
    %get3A_5 = vector.shape_cast %get3A_4 : vector<1x16x128xf32> to vector<16x128xf32>
    %mul3A = arith.constant 8 : i32
    %mul3A_6 = arith.muli %arg0, %mul3A : i32
    %add3A = arith.constant 0 : i32
    %add3A_7 = arith.addi %mul3A_6, %add3A : i32
    %get3A_8 = arith.index_cast %add3A_7 : i32 to index
    %get3A_9 = memref.load %arg1[%get3A_8] : memref<64xf32, #tpu.memory_space<smem>>
    %mul3A_10 = vector.broadcast %get3A_9 : f32 to vector<16x128xf32>
    %mul3A_11 = arith.mulf %get3A_5, %mul3A_10 : vector<16x128xf32>
    %get3A_12 = arith.constant 1 : index
    %get3A_13 = arith.constant 0 : index
    %get3A_14 = arith.constant 0 : index
    %get3A_15 = vector.load %arg2[%get3A_12, %get3A_13, %get3A_14] : memref<8x16x128xf32, #tpu.memory_space<vmem>>, vector<1x16x128xf32>
    %get3A_16 = vector.shape_cast %get3A_15 : vector<1x16x128xf32> to vector<16x128xf32>
    %mul3A_17 = arith.constant 8 : i32
    %mul3A_18 = arith.muli %arg0, %mul3A_17 : i32
    %add3A_19 = arith.constant 1 : i32
    %add3A_20 = arith.addi %mul3A_18, %add3A_19 : i32
    %get3A_21 = arith.index_cast %add3A_20 : i32 to index
    %get3A_22 = memref.load %arg1[%get3A_21] : memref<64xf32, #tpu.memory_space<smem>>
    %mul3A_23 = vector.broadcast %get3A_22 : f32 to vector<16x128xf32>
    %mul3A_24 = arith.mulf %get3A_16, %mul3A_23 : vector<16x128xf32>
    %get3A_25 = arith.constant 2 : index
    %get3A_26 = arith.constant 0 : index
    %get3A_27 = arith.constant 0 : index
    %get3A_28 = vector.load %arg2[%get3A_25, %get3A_26, %get3A_27] : memref<8x16x128xf32, #tpu.memory_space<vmem>>, vector<1x16x128xf32>
    %get3A_29 = vector.shape_cast %get3A_28 : vector<1x16x128xf32> to vector<16x128xf32>
    %mul3A_30 = arith.constant 8 : i32
    %mul3A_31 = arith.muli %arg0, %mul3A_30 : i32
    %add3A_32 = arith.constant 2 : i32
    %add3A_33 = arith.addi %mul3A_31, %add3A_32 : i32
    %get3A_34 = arith.index_cast %add3A_33 : i32 to index
    %get3A_35 = memref.load %arg1[%get3A_34] : memref<64xf32, #tpu.memory_space<smem>>
    %mul3A_36 = vector.broadcast %get3A_35 : f32 to vector<16x128xf32>
    %mul3A_37 = arith.mulf %get3A_29, %mul3A_36 : vector<16x128xf32>
    %get3A_38 = arith.constant 3 : index
    %get3A_39 = arith.constant 0 : index
    %get3A_40 = arith.constant 0 : index
    %get3A_41 = vector.load %arg2[%get3A_38, %get3A_39, %get3A_40] : memref<8x16x128xf32, #tpu.memory_space<vmem>>, vector<1x16x128xf32>
    %get3A_42 = vector.shape_cast %get3A_41 : vector<1x16x128xf32> to vector<16x128xf32>
    %mul3A_43 = arith.constant 8 : i32
    %mul3A_44 = arith.muli %arg0, %mul3A_43 : i32
    %add3A_45 = arith.constant 3 : i32
    %add3A_46 = arith.addi %mul3A_44, %add3A_45 : i32
    %get3A_47 = arith.index_cast %add3A_46 : i32 to index
    %get3A_48 = memref.load %arg1[%get3A_47] : memref<64xf32, #tpu.memory_space<smem>>
    %mul3A_49 = vector.broadcast %get3A_48 : f32 to vector<16x128xf32>
    %mul3A_50 = arith.mulf %get3A_42, %mul3A_49 : vector<16x128xf32>
    %get3A_51 = arith.constant 4 : index
    %get3A_52 = arith.constant 0 : index
    %get3A_53 = arith.constant 0 : index
    %get3A_54 = vector.load %arg2[%get3A_51, %get3A_52, %get3A_53] : memref<8x16x128xf32, #tpu.memory_space<vmem>>, vector<1x16x128xf32>
    %get3A_55 = vector.shape_cast %get3A_54 : vector<1x16x128xf32> to vector<16x128xf32>
    %mul3A_56 = arith.constant 8 : i32
    %mul3A_57 = arith.muli %arg0, %mul3A_56 : i32
    %add3A_58 = arith.constant 4 : i32
    %add3A_59 = arith.addi %mul3A_57, %add3A_58 : i32
    %get3A_60 = arith.index_cast %add3A_59 : i32 to index
    %get3A_61 = memref.load %arg1[%get3A_60] : memref<64xf32, #tpu.memory_space<smem>>
    %mul3A_62 = vector.broadcast %get3A_61 : f32 to vector<16x128xf32>
    %mul3A_63 = arith.mulf %get3A_55, %mul3A_62 : vector<16x128xf32>
    %get3A_64 = arith.constant 5 : index
    %get3A_65 = arith.constant 0 : index
    %get3A_66 = arith.constant 0 : index
    %get3A_67 = vector.load %arg2[%get3A_64, %get3A_65, %get3A_66] : memref<8x16x128xf32, #tpu.memory_space<vmem>>, vector<1x16x128xf32>
    %get3A_68 = vector.shape_cast %get3A_67 : vector<1x16x128xf32> to vector<16x128xf32>
    %mul3A_69 = arith.constant 8 : i32
    %mul3A_70 = arith.muli %arg0, %mul3A_69 : i32
    %add3A_71 = arith.constant 5 : i32
    %add3A_72 = arith.addi %mul3A_70, %add3A_71 : i32
    %get3A_73 = arith.index_cast %add3A_72 : i32 to index
    %get3A_74 = memref.load %arg1[%get3A_73] : memref<64xf32, #tpu.memory_space<smem>>
    %mul3A_75 = vector.broadcast %get3A_74 : f32 to vector<16x128xf32>
    %mul3A_76 = arith.mulf %get3A_68, %mul3A_75 : vector<16x128xf32>
    %get3A_77 = arith.constant 6 : index
    %get3A_78 = arith.constant 0 : index
    %get3A_79 = arith.constant 0 : index
    %get3A_80 = vector.load %arg2[%get3A_77, %get3A_78, %get3A_79] : memref<8x16x128xf32, #tpu.memory_space<vmem>>, vector<1x16x128xf32>
    %get3A_81 = vector.shape_cast %get3A_80 : vector<1x16x128xf32> to vector<16x128xf32>
    %mul3A_82 = arith.constant 8 : i32
    %mul3A_83 = arith.muli %arg0, %mul3A_82 : i32
    %add3A_84 = arith.constant 6 : i32
    %add3A_85 = arith.addi %mul3A_83, %add3A_84 : i32
    %get3A_86 = arith.index_cast %add3A_85 : i32 to index
    %get3A_87 = memref.load %arg1[%get3A_86] : memref<64xf32, #tpu.memory_space<smem>>
    %mul3A_88 = vector.broadcast %get3A_87 : f32 to vector<16x128xf32>
    %mul3A_89 = arith.mulf %get3A_81, %mul3A_88 : vector<16x128xf32>
    %get3A_90 = arith.constant 7 : index
    %get3A_91 = arith.constant 0 : index
    %get3A_92 = arith.constant 0 : index
    %get3A_93 = vector.load %arg2[%get3A_90, %get3A_91, %get3A_92] : memref<8x16x128xf32, #tpu.memory_space<vmem>>, vector<1x16x128xf32>
    %get3A_94 = vector.shape_cast %get3A_93 : vector<1x16x128xf32> to vector<16x128xf32>
    %mul3A_95 = arith.constant 8 : i32
    %mul3A_96 = arith.muli %arg0, %mul3A_95 : i32
    %add3A_97 = arith.constant 7 : i32
    %add3A_98 = arith.addi %mul3A_96, %add3A_97 : i32
    %get3A_99 = arith.index_cast %add3A_98 : i32 to index
    %get3A_100 = memref.load %arg1[%get3A_99] : memref<64xf32, #tpu.memory_space<smem>>
    %mul3A_101 = vector.broadcast %get3A_100 : f32 to vector<16x128xf32>
    %mul3A_102 = arith.mulf %get3A_94, %mul3A_101 : vector<16x128xf32>
    %concatenate3A = tpu.concatenate %mul3A_11, %mul3A_24, %mul3A_37, %mul3A_50, %mul3A_63, %mul3A_76, %mul3A_89, %mul3A_102 in 1 : vector<16x128xf32>, vector<16x128xf32>, vector<16x128xf32>, vector<16x128xf32>, vector<16x128xf32>, vector<16x128xf32>, vector<16x128xf32>, vector<16x128xf32> -> vector<16x1024xf32>
    %get3A_103 = arith.constant 0 : index
    %get3A_104 = arith.constant 0 : index
    %get3A_105 = vector.load %arg10[%get3A_103, %get3A_104] : memref<16x512xf32, #tpu.memory_space<vmem>>, vector<16x512xf32>
    %get3A_106 = arith.constant 0 : index
    %get3A_107 = arith.constant 0 : index
    %get3A_108 = vector.load %arg3[%get3A_106, %get3A_107] : memref<512x1024xf32, #tpu.memory_space<vmem>>, vector<512x1024xf32>
    %dot_general3A = arith.constant dense<0.000000e+00> : vector<16x512xf32>
    %dot_general3A_109 = tpu.matmul %concatenate3A, %get3A_108, %dot_general3A {dimension_numbers = #tpu.dot_dimension_numbers<[1], [1], [0], [0], [0, 0, 1, 0], [], []>, transpose_lhs_hint = false} : vector<16x1024xf32>, vector<512x1024xf32>, vector<16x512xf32> -> vector<16x512xf32>
    %add3A_110 = arith.addf %get3A_105, %dot_general3A_109 : vector<16x512xf32>
    %swap3A = arith.constant 0 : index
    %swap3A_111 = arith.constant 0 : index
    %swap3A_112 = vector.load %arg10[%swap3A, %swap3A_111] : memref<16x512xf32, #tpu.memory_space<vmem>>, vector<16x512xf32>
    tpu.vector_store %arg10[%swap3A, %swap3A_111], %add3A_110 {strides = array<i32>} : memref<16x512xf32, #tpu.memory_space<vmem>>, vector<16x512xf32>,
    %eq3A_113 = arith.constant 7 : i32
    %eq3A_114 = arith.cmpi eq, %arg0, %eq3A_113 : i32
    %convert_element_type3A_115 = arith.extui %eq3A_114 : i1 to i32
    %cond3A_116 = arith.constant 0 : i32
    %cond3A_117 = arith.cmpi ne, %convert_element_type3A_115, %cond3A_116 : i32
    scf.if %cond3A_117 {
      %get3A_118 = arith.constant 0 : index
      %get3A_119 = arith.constant 0 : index
      %get3A_120 = vector.load %arg10[%get3A_118, %get3A_119] : memref<16x512xf32, #tpu.memory_space<vmem>>, vector<16x512xf32>
      %get3A_121 = arith.constant 0 : index
      %get3A_122 = arith.constant 0 : index
      %get3A_123 = vector.load %arg4[%get3A_121, %get3A_122] : memref<1x512xf32, #tpu.memory_space<vmem>>, vector<1x512xf32>
      %add3A_124 = vector.broadcast %get3A_123 : vector<1x512xf32> to vector<16x512xf32>
      %add3A_125 = arith.addf %get3A_120, %add3A_124 : vector<16x512xf32>
      %reduce_sum3A = arith.constant dense<0.000000e+00> : vector<512xf32>
      %reduce_sum3A_126 = vector.multi_reduction <add>, %add3A_125, %reduce_sum3A [0] : vector<16x512xf32> to vector<512xf32>
      %broadcast_in_dim3A = vector.shape_cast %reduce_sum3A_126 : vector<512xf32> to vector<1x512xf32>
      %div3A = arith.constant 1.600000e+01 : f32
      %div3A_127 = vector.broadcast %div3A : f32 to vector<1x512xf32>
      %div3A_128 = arith.divf %broadcast_in_dim3A, %div3A_127 : vector<1x512xf32>
      %sub3A = vector.broadcast %div3A_128 : vector<1x512xf32> to vector<16x512xf32>
      %sub3A_129 = arith.subf %add3A_125, %sub3A : vector<16x512xf32>
      %integer_pow3A = arith.mulf %sub3A_129, %sub3A_129 : vector<16x512xf32>
      %reduce_sum3A_130 = arith.constant dense<0.000000e+00> : vector<512xf32>
      %reduce_sum3A_131 = vector.multi_reduction <add>, %integer_pow3A, %reduce_sum3A_130 [0] : vector<16x512xf32> to vector<512xf32>
      %broadcast_in_dim3A_132 = vector.shape_cast %reduce_sum3A_131 : vector<512xf32> to vector<1x512xf32>
      %div3A_133 = arith.constant 1.600000e+01 : f32
      %div3A_134 = vector.broadcast %div3A_133 : f32 to vector<1x512xf32>
      %div3A_135 = arith.divf %broadcast_in_dim3A_132, %div3A_134 : vector<1x512xf32>
      %sub3A_136 = vector.broadcast %div3A_128 : vector<1x512xf32> to vector<16x512xf32>
      %sub3A_137 = arith.subf %add3A_125, %sub3A_136 : vector<16x512xf32>
      %add3A_138 = arith.constant 9.99999974E-6 : f32
      %add3A_139 = vector.broadcast %add3A_138 : f32 to vector<1x512xf32>
      %add3A_140 = arith.addf %div3A_135, %add3A_139 : vector<1x512xf32>
      %rsqrt3A = math.rsqrt %add3A_140 : vector<1x512xf32>
      %mul3A_141 = vector.broadcast %rsqrt3A : vector<1x512xf32> to vector<16x512xf32>
      %mul3A_142 = arith.mulf %sub3A_137, %mul3A_141 : vector<16x512xf32>
      %get3A_143 = arith.constant 0 : index
      %get3A_144 = arith.constant 0 : index
      %get3A_145 = vector.load %arg5[%get3A_143, %get3A_144] : memref<1x512xf32, #tpu.memory_space<vmem>>, vector<1x512xf32>
      %mul3A_146 = vector.broadcast %get3A_145 : vector<1x512xf32> to vector<16x512xf32>
      %mul3A_147 = arith.mulf %mul3A_142, %mul3A_146 : vector<16x512xf32>
      %get3A_148 = arith.constant 0 : index
      %get3A_149 = arith.constant 0 : index
      %get3A_150 = vector.load %arg6[%get3A_148, %get3A_149] : memref<1x512xf32, #tpu.memory_space<vmem>>, vector<1x512xf32>
      %add3A_151 = vector.broadcast %get3A_150 : vector<1x512xf32> to vector<16x512xf32>
      %add3A_152 = arith.addf %mul3A_147, %add3A_151 : vector<16x512xf32>
      %max3A = arith.constant 0.000000e+00 : f32
      %max3A_153 = vector.broadcast %max3A : f32 to vector<16x512xf32>
      %max3A_154 = arith.maximumf %add3A_152, %max3A_153 : vector<16x512xf32>
      %get3A_155 = arith.constant 0 : index
      %get3A_156 = arith.constant 0 : index
      %get3A_157 = vector.load %arg7[%get3A_155, %get3A_156] : memref<128x512xf32, #tpu.memory_space<vmem>>, vector<128x512xf32>
      %dot_general3A_158 = arith.constant dense<0.000000e+00> : vector<16x128xf32>
      %dot_general3A_159 = tpu.matmul %max3A_154, %get3A_157, %dot_general3A_158 {dimension_numbers = #tpu.dot_dimension_numbers<[1], [1], [0], [0], [0, 0, 1, 0], [], []>, transpose_lhs_hint = false} : vector<16x512xf32>, vector<128x512xf32>, vector<16x128xf32> -> vector<16x128xf32>
      %get3A_160 = arith.constant 0 : index
      %get3A_161 = arith.constant 0 : index
      %get3A_162 = vector.load %arg8[%get3A_160, %get3A_161] : memref<1x128xf32, #tpu.memory_space<vmem>>, vector<1x128xf32>
      %add3A_163 = vector.broadcast %get3A_162 : vector<1x128xf32> to vector<16x128xf32>
      %add3A_164 = arith.addf %dot_general3A_159, %add3A_163 : vector<16x128xf32>
      %swap3A_165 = arith.constant 0 : index
      %swap3A_166 = arith.constant 0 : index
      %swap3A_167 = vector.load %arg9[%swap3A_165, %swap3A_166] : memref<16x128xf32, #tpu.memory_space<vmem>>, vector<16x128xf32>
      tpu.vector_store %arg9[%swap3A_165, %swap3A_166], %add3A_164 {strides = array<i32>} : memref<16x128xf32, #tpu.memory_space<vmem>>, vector<16x128xf32>,
    } else {
    }
    return
  }
  func.func @transform_0(%arg0: i32, %arg1: memref<64xf32, #tpu.memory_space<smem>>) -> (i32, i32, i32) {
    %c0_i32 = arith.constant 0 : i32
    %c0_i32_0 = arith.constant 0 : i32
    %c0_i32_1 = arith.constant 0 : i32
    return %arg0, %c0_i32, %c0_i32_0 : i32, i32, i32
  }
  func.func @transform_1(%arg0: i32, %arg1: memref<64xf32, #tpu.memory_space<smem>>) -> (i32, i32) {
    %c0_i32 = arith.constant 0 : i32
    %c0_i32_0 = arith.constant 0 : i32
    return %c0_i32, %arg0 : i32, i32
  }
  func.func @transform_2(%arg0: i32, %arg1: memref<64xf32, #tpu.memory_space<smem>>) -> (i32, i32) {
    %c0_i32 = arith.constant 0 : i32
    %c0_i32_0 = arith.constant 0 : i32
    %c0_i32_1 = arith.constant 0 : i32
    return %c0_i32, %c0_i32_0 : i32, i32
  }
  func.func @transform_3(%arg0: i32, %arg1: memref<64xf32, #tpu.memory_space<smem>>) -> (i32, i32) {
    %c0_i32 = arith.constant 0 : i32
    %c0_i32_0 = arith.constant 0 : i32
    %c0_i32_1 = arith.constant 0 : i32
    return %c0_i32, %c0_i32_0 : i32, i32
  }
  func.func @transform_4(%arg0: i32, %arg1: memref<64xf32, #tpu.memory_space<smem>>) -> (i32, i32) {
    %c0_i32 = arith.constant 0 : i32
    %c0_i32_0 = arith.constant 0 : i32
    %c0_i32_1 = arith.constant 0 : i32
    return %c0_i32, %c0_i32_0 : i32, i32
  }
  func.func @transform_5(%arg0: i32, %arg1: memref<64xf32, #tpu.memory_space<smem>>) -> (i32, i32) {
    %c0_i32 = arith.constant 0 : i32
    %c0_i32_0 = arith.constant 0 : i32
    %c0_i32_1 = arith.constant 0 : i32
    return %c0_i32, %c0_i32_0 : i32, i32
  }
  func.func @transform_6(%arg0: i32, %arg1: memref<64xf32, #tpu.memory_space<smem>>) -> (i32, i32) {
    %c0_i32 = arith.constant 0 : i32
    %c0_i32_0 = arith.constant 0 : i32
    %c0_i32_1 = arith.constant 0 : i32
    return %c0_i32, %c0_i32_0 : i32, i32
  }
  func.func @transform_7(%arg0: i32, %arg1: memref<64xf32, #tpu.memory_space<smem>>) -> (i32, i32) {
    %c0_i32 = arith.constant 0 : i32
    %c0_i32_0 = arith.constant 0 : i32
    %c0_i32_1 = arith.constant 0 : i32
    return %c0_i32, %c0_i32_0 : i32, i32
  }
}

</mosaic_0001>

<sc_bundles>
// kernel: kernel.5.cloned.1.call-start
scs
__scs_entry_jumppad:
0x0: {  	(pc) =	sbr.rel $0x88, $3  }
0x1: {  	(tag) =	ssettag $0x0;
	lr =	simm.s32 $0x1  }
0x2: {  	[smem:$0x3F99] =	sst lr;
	_ =	strace $0xD0000000  }
0x3: {  	_ = 	snop  }
0x4: {  	_ = 	snop  }
0x5: {  	_ = 	snop  }
0x6: {  	_ = 	snop  }
0x7: {  	_ = 	snop  }
__scs_overlays_trampoline_lowered:
0x8: {  	[smem:$0x3FA8] =	sst s0  }
0x9: {  	[smem:$0x3FA9] =	sst s1  }
0xa: {  	[smem:$0x3FAA] =	sst s2  }
0xb: {  	[smem:$0x3FAB] =	sst s3  }
0xc: {  	[smem:$0x3FAC] =	sst s4  }
0xd: {  	[smem:$0x3FAD] =	sst s5  }
0xe: {  	[smem:$0x3FAE] =	sst s6  }
0xf: {  	[smem:$0x3FAF] =	sst s7  }
0x10: {  	[smem:$0x3FB0] =	sst s8  }
0x11: {  	[smem:$0x3FB1] =	sst s9;
	s0 =	simm.s32 @!p0 $0x0  }
0x12: {  	s1 =	sld [smem:$0x3F97];
	s0 =	simm.s32 @p0 $0x1  }
0x13: {  	[smem:$0x3FB2] =	sst s0;
	s0 =	simm.s32 @!p1 $0x0  }
0x14: {  	s2 =	sld [smem:$0x3F96];
	s0 =	simm.s32 @p1 $0x1  }
0x15: {  	[smem:$0x3FB3] =	sst s0;
	s0 =	simm.s32 @!p2 $0x0  }
0x16: {  	s3 =	sld [smem:$0x3FDB];
	s0 =	simm.s32 @p2 $0x1  }
0x17: {  	s4 =	simm.s32 $0x1BF5;
	[smem:$0x3FB5] =	sst s0  }
0x18: {  	s0 =	sld [smem:$0x3F98];
	_ =	swait.ge [sflag:s4], $0x0  }
0x19: {  	s7 =	sld [smem:$0x3F99]  }
0x1a: {  	s8 =	sadd.s32 $0xFFFFE003, lr  }
0x1b: {  	s9 =	sadd.s32 $0xFFFFFEF7, lr;
	s5 =	simm.s32 $0xFFFFFFFF;
	p2 =	slt.u32 s8, $0xFFFFF086  }
0x1c: {  	p1 =	slt.u32 s9, $0xF7A;
	s5 =	simm.s32 @!p2 $0x0  }
0x1d: {  	s5 =	simm.s32 @p1 $0x1;
	p0 =	seq.s32 s7, s2  }
0x1e: {  	s7 =	smul.u32 @!p0 $0xF7A, s2;
	p2 =	seq.s32 @!p0 s5, $0x0  }
0x1f: {  	s9 =	smul.u32 $0xF7A, s1;
	s8 =	simm.s32 @!p0 $0x1BF5;
	p2 =	por !p2, p0  }
0x20: {  	[sflag:s8] =	ssyncset.s32 @!p0 $0xFFFFF086;
	s6 =	sadd.s32 @!p0 s3, s7;
	s7 =	simm.s32 @!p0 $0x108  }
0x21: {  	s3 =	sadd.s32 s3, s9;
	s6 =	sadd.s32 @!p0 $0x88, s6;
	s7 =	simm.s32 @p2 $0x1082  }
0x22: {  	[simem:s7], [sflag:s8] =	dma.local @!p0 [hbm:s6], $0xF7A  }
0x23: {  	s9 =	sor.u32 $0xD0000000, s2;
	s6 =	simm.s32 $0x108;
	_ =	swait.ge @!p0 [sflag:s8], $0x0  }
0x24: {  	s3 =	sadd.s32 $0x88, s3;
	s6 =	simm.s32 @!p1 $0x1082;
	[sflag:s4] =	ssyncset.s32 $0xFFFFF086  }
0x25: {  	[simem:s6], [sflag:s4] =	dma.local [hbm:s3], $0xF7A  }
0x26: {  	[smem:$0x3F99] =	sst s1;
	(tag) =	ssettag s2;
	_ =	strace s9  }
0x27: {  	s1 =	sld [smem:$0x3FA9]  }
0x28: {  	s2 =	sld [smem:$0x3FAA]  }
0x29: {  	s4 =	sld [smem:$0x3FAC]  }
0x2a: {  	p0 =	seq.s32 s5, $0x0;
	s5 =	sld [smem:$0x3FAD]  }
0x2b: {  	s6 =	sld [smem:$0x3FAE]  }
0x2c: {  	s7 =	sld [smem:$0x3FAF]  }
0x2d: {  	s3 =	simm.s32 $0x108;
	s8 =	sld [smem:$0x3FB0]  }
0x2e: {  	s3 =	simm.s32 @!p0 $0x1082;
	s9 =	sld [smem:$0x3FB1]  }
0x2f: {  	lr =	sadd.s32 s0, s3;
	s0 =	sld [smem:$0x3FA8]  }
0x30: {  	s3 =	sld [smem:$0x3FAB]  }
0x31: {  	[smem:$0x3FB4] =	sst s10  }
0x32: {  	s10 =	sld [smem:$0x3FB2];
	_ =	sdelay $0x3  }
0x33: {  	p0 =	seq.s32 s10, $0x1;
	s10 =	sld [smem:$0x3FB4];
	_ =	sdelay $0x3  }
0x34: {  	[smem:$0x3FB4] =	sst s10  }
0x35: {  	s10 =	sld [smem:$0x3FB3];
	_ =	sdelay $0x3  }
0x36: {  	p1 =	seq.s32 s10, $0x1;
	s10 =	sld [smem:$0x3FB4];
	_ =	sdelay $0x3  }
0x37: {  	[smem:$0x3FB4] =	sst s10  }
0x38: {  	s10 =	sld [smem:$0x3FB5]  }
0x39: {  	_ = 	snop;
	(pc) =	sbr.ind lr, $3  }
0x3a: {  	_ = 	snop  }
0x3b: {  	_ = 	snop  }
0x3c: {  	p2 =	seq.s32 s10, $0x1;
	s10 =	sld [smem:$0x3FB4]  }
0x3d: {  	_ =	shalt  }
0x3e: {  	_ =	shalt  }
0x3f: {  	_ =	shalt  }
0x40: {  	_ =	shalt  }
0x41: {  	_ =	shalt  }
0x42: {  	_ =	shalt  }
0x43: {  	_ =	shalt  }
0x44: {  	_ =	shalt  }
0x45: {  	_ =	shalt  }
0x46: {  	_ =	shalt  }
0x47: {  	_ =	shalt  }
0x48: {  	_ =	shalt  }
0x49: {  	_ =	shalt  }
0x4a: {  	_ =	shalt  }
0x4b: {  	_ =	shalt  }
0x4c: {  	_ =	shalt  }
0x4d: {  	_ =	shalt  }
0x4e: {  	_ =	shalt  }
0x4f: {  	_ =	shalt  }
0x50: {  	_ =	shalt  }
0x51: {  	_ =	shalt  }
0x52: {  	_ =	shalt  }
0x53: {  	_ =	shalt  }
0x54: {  	_ =	shalt  }
0x55: {  	_ =	shalt  }
0x56: {  	_ =	shalt  }
0x57: {  	_ =	shalt  }
0x58: {  	_ =	shalt  }
0x59: {  	_ =	shalt  }
0x5a: {  	_ =	shalt  }
0x5b: {  	_ =	shalt  }
0x5c: {  	_ =	shalt  }
0x5d: {  	_ =	shalt  }
0x5e: {  	_ =	shalt  }
0x5f: {  	_ =	shalt  }
0x60: {  	_ =	shalt  }
0x61: {  	_ =	shalt  }
0x62: {  	_ =	shalt  }
0x63: {  	_ =	shalt  }
0x64: {  	_ =	shalt  }
0x65: {  	_ =	shalt  }
0x66: {  	_ =	shalt  }
0x67: {  	_ =	shalt  }
0x68: {  	_ =	shalt  }
0x69: {  	_ =	shalt  }
0x6a: {  	_ =	shalt  }
0x6b: {  	_ =	shalt  }
0x6c: {  	_ =	shalt  }
0x6d: {  	_ =	shalt  }
0x6e: {  	_ =	shalt  }
0x6f: {  	_ =	shalt  }
0x70: {  	_ =	shalt  }
0x71: {  	_ =	shalt  }
0x72: {  	_ =	shalt  }
0x73: {  	_ =	shalt  }
0x74: {  	_ =	shalt  }
0x75: {  	_ =	shalt  }
0x76: {  	_ =	shalt  }
0x77: {  	_ =	shalt  }
0x78: {  	_ =	shalt  }
0x79: {  	_ =	shalt  }
0x7a: {  	_ =	shalt  }
0x7b: {  	_ =	shalt  }
0x7c: {  	_ =	shalt  }
0x7d: {  	_ =	shalt  }
0x7e: {  	_ =	shalt  }
0x7f: {  	_ =	shalt  }
0x80: {  	_ =	shalt  }
0x81: {  	_ =	shalt  }
0x82: {  	_ =	shalt  }
0x83: {  	_ =	shalt  }
0x84: {  	_ =	shalt  }
0x85: {  	_ =	shalt  }
0x86: {  	_ =	shalt  }
0x87: {  	_ =	shalt  }
.Lfunc_end0:
.L_simem_size_0:
called_computation_lowered:
.L_overlay_start_0:
0x88: {  	s2 =	sld [smem:$0x3FD9]  }
0x89: {  	s3 =	sld [smem:$0x3FFE];
	_ =	sdelay $0x1  }
0x8a: {  	s1 =	srdreg.scid  }
0x8b: {  	s0 =	sand.u32 $0x1, s1  }
0x8c: {  	s14 =	sshll.u32 s0, $0xA;
	s2 =	sadd.s32 s3, s2  }
0x8d: {  	s2 =	sadd.s32 s2, s14  }
0x8e: {  	[smem:$0x3FC0] =	sst s2  }
0x8f: {  	_ = 	snop  }
0x90: {  	s2 =	sld [smem:$0x3FD0];
	_ =	sdelay $0x2  }
0x91: {  	s4 =	simm.s32 $0xA;
	s5 =	simm.s32 $0x10;
	s15 =	sld [smem:$0x3FC9]  }
0x92: {  	[smem:s5], [sflag:s4] =	dma.local [hbm:s2], $0x1  }
0x93: {  	_ =	swait.eq [sflag:s4], $0x1  }
0x94: {  	[sflag:s4] =	ssyncset.done $0x0  }
0x95: {  	[sflag:s4] =	ssyncadd.s32 $0xFFFFFFFF  }
0x96: {  	s16 =	sld [smem:$0x10];
	(tm) =	ssettm $0x1  }
0x97: {  	s17 =	sld [smem:$0x3FFB];
	_ =	sdelay $0x3  }
0x98: {  	_ =	strace s17  }
0x99: {  	s4 =	sld [smem:$0x3FFC];
	_ =	sdelay $0x3  }
0x9a: {  	_ =	strace s4  }
0x9b: {  	s4 =	sld [smem:$0x3FFD];
	_ =	sdelay $0x3  }
0x9c: {  	_ =	strace s4  }
0x9d: {  	_ =	strace $0x8FFFFFFF  }
0x9e: {  	s18 =	sld [smem:$0x3FDB];
	_ =	sdelay $0x1  }
0x9f: {  	s19 =	simm.s32 $_scs_section_size  }
0xa0: {  	s6 =	simm.s32 $_size__tile_overlayer_lowered;
	s7 =	simm.s32 $_tile_overlayer_lowered  }
0xa1: {  	s22 =	simm.s32 $0x1BFF;
	s21 =	sshll.u32 s7, $0x1;
	s4 =	sadd.s32 s19, s18  }
0xa2: {  	s8 =	simm.s32 $0x0;
	s20 =	sshll.u32 s6, $0x1;
	s6 =	sadd.s32 s21, s4  }
0xa3: {  	[timem:s8], [sflag:s22] =	dma.local [hbm:s6], s20  }
0xa4: {  	_ =	swait.ge [sflag:s22], s20  }
0xa5: {  	s5 =	ssub.s32 $0x0, s20;
	[sflag:s22] =	ssyncset.done $0x0  }
0xa6: {  	[sflag:s22] =	ssyncadd.s32 s5;
	_ =	sdelay $0x1  }
0xa7: {  	s23 =	simm.s32 $0x1B8B  }
0xa8: {  	_ =	swait.ge [sflag:s23], $0x1  }
0xa9: {  	[sflag:s23] =	ssyncset.done $0x0  }
0xaa: {  	s25 =	simm.s32 $0x1B8E;
	s24 =	sld [smem:$0x3FFE];
	[sflag:s23] =	ssyncadd.s32 $0xFFFFFFFF  }
0xab: {  	s26 =	simm.s32 $execute0_lowered;
	[smem:$0x3FD2] =	sst s25  }
0xac: {  	s6 =	sshll.u32 s26, $0x1;
	_ =	strace $0x80000046;
	[dreg:$0x1] =	wrdreg $0xFFFFFFFF  }
0xad: {  	s28 =	simm.s32 $_size_execute0_lowered;
	s4 =	sadd.s32 s4, s6;
	[dreg:$0x0] =	wrdreg $0x0  }
0xae: {  	s6 =	sshll.u32 s28, $0x1;
	[dreg:$0x2] =	wrdreg s4  }
0xaf: {  	[dreg:$0x3] =	wrdreg s6  }
0xb0: {  	[dreg:$0x4] =	wrdreg $0xC0  }
0xb1: {  	_ =	task [dreg:s8], $0x5FFFF  }
0xb2: {  	[dreg:$0x1] =	wrdreg $0xFFFFFFFF  }
0xb3: {  	[dreg:$0x0] =	wrdreg $0x60  }
0xb4: {  	[dreg:$0x2] =	wrdreg s15  }
0xb5: {  	[dreg:$0x3] =	wrdreg s16  }
0xb6: {  	[dreg:$0x4] =	wrdreg s24  }
0xb7: {  	[dreg:$0x5] =	wrdreg $0x9  }
0xb8: {  	_ =	task.clear_ibuf [dreg:s8], $0x6FFFF;
	_ =	strace $0x90000046  }
0xb9: {  	s29 =	simm.s32 $0x9;
	_ =	strace $0x80000048  }
0xba: {  	_ =	swait.ge [sflag:s29], $0x1  }
0xbb: {  	[sflag:s29] =	ssyncadd.s32 $0xFFFFFFFF  }
0xbc: {  	_ =	strace $0x90000048  }
0xbd: {  	_ =	sfence  }
0xbe: {  	s30 =	sld [smem:$0x0];
	_ =	sdelay $0x2  }
0xbf: {  	s31 =	sshll.u32 s1, $0xD;
	s1 =	sshrl.u32 s1, $0x2  }
0xc0: {  	s3 =	sand.u32 $0x4000, s31;
	s1 =	sadd.s32 s1, s30  }
0xc1: {  	s0 =	sor.u32 s3, s0;
	s1 =	sshll.u32 s1, $0x11  }
0xc2: {  	s0 =	sor.u32 s1, s0  }
0xc3: {  	s0 =	sadd.s32 $0x8F2B, s0  }
0xc4: {  	[sflag:s0] =	ssyncadd.remote.s32 $0x1  }
0xc5: {  	_ =	sfence.sel $0xFFFF  }
0xc6: {  	[dreg:$0x0] =	wrdreg $0xFFFFFFFF;
	(pc) =	sbr.abs _section_cstart, $3  }
0xc7: {  	[dreg:$0x1] =	wrdreg $0xFFFFFFFF  }
0xc8: {  	_ =	task.clear_ibuf [dreg:s8], $0x2FFFF;
	_ =	strace $0x9FFFFFFF  }
0xc9: {  	(tm) =	ssettm $0x7FFFFFFF  }
tec
execute0_lowered:
.L_overlay_start_1:
0x0: {  	(tag) =	ssettag $0x1  }
0x1: {  	s1 =	rddreg [dreg:$0x0];
	s2 =	srdreg.scid  }
0x2: {  	s4 =	rddreg [dreg:$0x1];
	s0 =	stileid.u32  }
0x3: {  	s9 =	rddreg [dreg:$0x2];
	s3 =	simm.s32 $0x0;
	s6 =	sand.u32 $0x1, s2  }
0x4: {  	s5 =	sshll.u32 s0, $0x6;
	s2 =	rddreg [dreg:$0x3];
	s7 =	sshll.u32 s6, $0x5  }
0x5: {  	s8 =	simm.s32 $0x1;
	[smem:$0x7FF] =	sst s3;
	s10 =	sor.u32 s7, s5  }
0x6: {  	_ =	strace $0x80000047;
	s11 =	ssub.s32 $0x2, s6;
	s5 =	sshrl.u32 s10, $0x3  }
0x7: {  	s6 =	simm.s32 $0x20;
	s5 =	sadd.s32 s4, s5;
	s4 =	simm.s32 $0x2  }
0x8: {  	[tilespmem:s3], [sflag:$0x2] =	stream.linear.gather [hbm4b:s5+s3], $0x20, $0x38;
	[tilespmem:$0x1080] =	vst v63  }
0x9: {  	s7 =	simm.s32 $0x80;
	s12 =	sshrl.u32 s11, $0x1;
	_ =	swait.ge [sflag:s4], $0x20  }
0xa: {  	s10 =	sshll.u32 s10, $0x4;
	s31 =	ssub.s32 s11, s12;
	[sflag:s4] =	ssyncset.done $0x0  }
0xb: {  	s9 =	sadd.s32 s10, s9;
	s10 =	smax.u32 s31, $0x1;
	[sflag:s4] =	ssyncadd.s32 $0xFFFFFFE0  }
0xc: {  	[tilespmem:s7], [sflag:$0x1] =	stream.indirect.gather [hbm4b:s1+s6], $0x80, s3, s6, $0xb8;
	[tilespmem:$0x1080] =	vst v63  }
0xd: {  	p0 =	sne.s32 s10, $0x1;
	_ =	swait.ge [sflag:s8], $0x1000  }
.Ltmp0:
0xe: {  	[sflag:s8] =	ssyncset.done $0x0;
	(pc) =	sbr.rel @!p0 .LBB2_2-.Ltmp0, $4  }
0xf: {  	s9 =	sadd.s32 $0x1400, s9;
	[sflag:s8] =	ssyncadd.s32 $0xFFFFF000  }
0x10: {  	[hbm4b:s9+s3] =	stream.linear.scatter [tilespmem:s7], [sflag:$0x2], $0x1000, $0x38;
	[tilespmem:$0x1080] =	vst v63  }
0x11: {  	_ =	swait.ge [sflag:s4], $0x1000  }
0x12: {  	s10 =	sadd.s32 $0xFFFFFFFF, s10;
	[sflag:s4] =	ssyncset.done $0x0  }
.LBB2_1:
0x13: {  	p0 =	sne.s32 s10, $0x1;
	s10 =	sadd.s32 $0xFFFFFFFF, s10;
	[sflag:s4] =	ssyncadd.s32 $0xFFFFF000  }
0x14: {  	[tilespmem:s3], [sflag:$0x2] =	stream.linear.gather [hbm4b:s5+s3], $0x20, $0x38;
	[tilespmem:$0x1080] =	vst v63  }
0x15: {  	_ =	swait.ge [sflag:s4], $0x20  }
0x16: {  	[sflag:s4] =	ssyncset.done $0x0  }
0x17: {  	[sflag:s4] =	ssyncadd.s32 $0xFFFFFFE0  }
0x18: {  	[tilespmem:s7], [sflag:$0x1] =	stream.indirect.gather [hbm4b:s1+s6], $0x80, s3, s6, $0xb8;
	[tilespmem:$0x1080] =	vst v63  }
0x19: {  	_ =	swait.ge [sflag:s8], $0x1000  }
.Ltmp1:
0x1a: {  	[sflag:s8] =	ssyncset.done $0x0;
	(pc) =	sbr.rel @p0 .LBB2_1-.Ltmp1, $4  }
0x1b: {  	[sflag:s8] =	ssyncadd.s32 $0xFFFFF000  }
0x1c: {  	[hbm4b:s9+s3] =	stream.linear.scatter [tilespmem:s7], [sflag:$0x2], $0x1000, $0x38;
	[tilespmem:$0x1080] =	vst v63  }
0x1d: {  	_ =	swait.ge [sflag:s4], $0x1000  }
0x1e: {  	[sflag:s4] =	ssyncset.done $0x0  }
.LBB2_2:
0x1f: {  	[sflag:s4] =	ssyncadd.s32 $0xFFFFF000  }
0x20: {  	_ =	sfence.sel $0x180000  }
0x21: {  	[bflag:$0x0] =	sbarrier.arrive $0xFFFF  }
0x22: {  	p0 =	sne.s32 s0, $0x0;
	_ =	strace $0x90000047  }
0x23: {  	s0 =	sadd.s32 @!p0 $0x100000, s2;
	[bflag:$0x2] =	sbarrier.arrive $0xFFFF  }
0x24: {  	[sflag:s0] =	ssyncadd.tile.s32 @!p0 $0x1;
	_ =	shalt  }
.Lfunc_end2:
_tile_overlayer_lowered:
.L_overlay_start_2:
0x25: {  	(tag) =	ssettag $0x2  }
0x26: {  	s0 =	rddreg [dreg:$0x0];
	s2 =	stileid.u32  }
0x27: {  	s1 =	rddreg [dreg:$0x1];
	p0 =	sne.s32 s2, $0x0  }
0x28: {  	s3 =	rddreg [dreg:$0x2];
	[bflag:$0x3] =	sbarrier.arrive $0xFFFF;
	s2 =	simm.s32 @!p0 $0x1C02  }
0x29: {  	[timem:s3], [sflag:s2] =	dma.local @!p0 [hbm:s0], s1  }
0x2a: {  	s0 =	simm.s32 @!p0 $0x2  }
0x2b: {  	_ =	swait.ge @!p0 [sflag:s0], s1  }
0x2c: {  	s1 =	ssub.s32 @!p0 $0x0, s1;
	[sflag:s0] =	ssyncset.done @!p0 $0x0  }
0x2d: {  	[sflag:s0] =	ssyncadd.s32 @!p0 s1  }
0x2e: {  	[bflag:$0x3] =	sbarrier.arrive $0xFFFF  }
0x2f: {  	_ =	shalt  }

</sc_bundles>
